<compile_context>
chip_gen: v7x
topology: tpu7x:2x2x1
jax: 0.10.2.dev20260603
libtpu: 0.0.44.dev20260713+nightly
codegen_flags: <defaults>
</compile_context>

<pallas_src>
import functools

import jax
import jax.numpy as jnp
from jax import lax
from jax.experimental import pallas as pl
from jax.experimental.pallas import tpu as pltpu
from jax.experimental.pallas import tpu_sc as plsc

D_MODEL = 1024
NUM_SEG = 10
NC, NS, L = 2, 16, 16
NW = NC * NS
BLK = 2048
SC_UNROLL = 4


def _make_onehot_sc(T):
    tpw = T // NW
    mesh = plsc.VectorSubcoreMesh(core_axis_name="c", subcore_axis_name="s")

    @functools.partial(
        pl.kernel,
        out_type=jax.ShapeDtypeStruct((T, L), jnp.float32),
        mesh=mesh,
        compiler_params=pltpu.CompilerParams(
            use_tc_tiling_on_sc=False, needs_layout_passes=False
        ),
        scratch_types=[
            pltpu.VMEM((tpw,), jnp.int32),
            pltpu.VMEM((tpw, L), jnp.float32),
        ],
    )
    def body(ids_hbm, oh_hbm, ids_v, oh_v):
        wid = lax.axis_index("s") * NC + lax.axis_index("c")
        base = wid * tpw
        pltpu.sync_copy(ids_hbm.at[pl.ds(base, tpw)], ids_v)
        iota = lax.iota(jnp.int32, L)
        one = jnp.ones((L,), jnp.float32)
        zero = jnp.zeros((L,), jnp.float32)

        @plsc.parallel_loop(0, tpw, unroll=SC_UNROLL)
        def tok_body(t):
            r_vec = plsc.load_gather(ids_v, [jnp.broadcast_to(t, (L,))])
            oh_v[t, :] = jnp.where(iota == r_vec, one, zero)

        pltpu.sync_copy(oh_v, oh_hbm.at[pl.ds(base, tpw)])

    return body


def _tc_call(x2, oh2, table16, T):
    nblk = T // BLK

    def body(oh_ref, x_ref, tab_ref, o_ref):
        seg = jnp.dot(
            oh_ref[...], tab_ref[...], preferred_element_type=jnp.float32
        )
        o_ref[...] = x_ref[...] + seg

    return pl.pallas_call(
        body,
        grid=(nblk,),
        in_specs=[
            pl.BlockSpec((BLK, L), lambda i: (i, 0)),
            pl.BlockSpec((BLK, D_MODEL), lambda i: (i, 0)),
            pl.BlockSpec((L, D_MODEL), lambda i: (0, 0)),
        ],
        out_specs=pl.BlockSpec((BLK, D_MODEL), lambda i: (i, 0)),
        out_shape=jax.ShapeDtypeStruct((T, D_MODEL), jnp.float32),
    )(oh2, x2, table16)


def kernel(x, segment_ids, table):
    B, S, D = x.shape
    T = B * S
    ids = segment_ids.reshape(T).astype(jnp.int32)
    table16 = jnp.concatenate(
        [table, jnp.zeros((L - NUM_SEG, D), table.dtype)], axis=0
    )
    oh = _make_onehot_sc(T)(ids)
    out = _tc_call(x.reshape(T, D), oh, table16, T)
    return out.reshape(B, S, D)

# --- scband reference (transcript-rebuilt; emitter-appended) ---
"""Pipeline reference for scband-segment-encoding-75376676045067 (READ-ONLY COPY).

The authoritative reference and input builder live on the scoring server;
editing this copy changes nothing except your own understanding.
"""

import jax, jax.numpy as jnp
import numpy as np

D_MODEL = 1024
NUM_SEGMENTS = 10
BATCH = 4
SEQ = 4096

def setup_inputs(seed: int = 0) -> dict:
    key = jax.random.key(seed)
    k1, k2, k3 = jax.random.split(key, 3)
    x = jax.random.normal(k1, (BATCH, SEQ, D_MODEL), dtype=jnp.float32)
    segment_ids = jax.random.randint(k2, (BATCH, SEQ), 0, NUM_SEGMENTS, dtype=jnp.int64)
    # learned parameter: segment embedding table (nn.Embedding weight)
    table = jax.random.normal(k3, (NUM_SEGMENTS, D_MODEL), dtype=jnp.float32)
    return {"x": x, "segment_ids": segment_ids, "table": table}

def reference(x, segment_ids, table):
    # segment_embeddings = self.segment_embeddings(segment_ids)  -> gather rows
    seg_emb = jnp.take(table, segment_ids, axis=0)  # [B, S, D]
    return x + seg_emb

if __name__ == "__main__":
    import jax
    _d = setup_inputs()
    print(jax.jit(kernel)(*tuple(_d.values())))

</pallas_src>

<mosaic_0001>
#map = affine_map<(d0, d1) -> (0)>
#map1 = affine_map<(d0, d1) -> (0, 0)>
module attributes {stable_mosaic.version = 14 : i64} {
  func.func @body(%arg0: i32, %arg1: i32, %arg2: memref<16384xi32, #tpu.memory_space<hbm>>, %arg3: memref<16384x16xf32, #tpu.memory_space<hbm>>, %arg4: memref<512xi32, #tpu.memory_space<vmem>>, %arg5: memref<512x16xf32, #tpu.memory_space<vmem>>) attributes {dimension_semantics = [#tpu.dimension_semantics<core_parallel>, #tpu.dimension_semantics<subcore_parallel>], iteration_bounds = array<i64: 2, 16>, scalar_prefetch = 0 : i64, scratch_operands = 2 : i64, tpu.core_type = #tpu.core_type<sc_vector_subcore>, window_params = [{transform_indices = #map}, {transform_indices = #map1}]} {
    %mul3A = arith.constant 2 : i32
    %mul3A_0 = arith.muli %arg1, %mul3A : i32
    %add3A = arith.addi %mul3A_0, %arg0 : i32
    %mul3A_1 = arith.constant 512 : i32
    %mul3A_2 = arith.muli %add3A, %mul3A_1 : i32
    "tpu.region"() ({
      %run_scoped3A = tpu.sem_alloc : memref<!tpu.dma_semaphore, #tpu.memory_space<semaphore_mem>>
      %dma_start3A = tpu.memref_slice %arg2[%mul3A_2] : memref<16384xi32, #tpu.memory_space<hbm>> -> memref<512xi32, #tpu.memory_space<hbm>>
      %dma_start3A_8 = tpu.memref_slice %arg2[%mul3A_2] : memref<16384xi32, #tpu.memory_space<hbm>> -> memref<512xi32, #tpu.memory_space<hbm>>
      tpu.enqueue_dma source(%dma_start3A_8 : memref<512xi32, #tpu.memory_space<hbm>>) target(%arg4 : memref<512xi32, #tpu.memory_space<vmem>>) target_semaphore(%run_scoped3A : memref<!tpu.dma_semaphore, #tpu.memory_space<semaphore_mem>>)
      %dma_wait3A = tpu.memref_slice %arg2[%mul3A_2] : memref<16384xi32, #tpu.memory_space<hbm>> -> memref<512xi32, #tpu.memory_space<hbm>>
      %dma_wait3A_9 = tpu.memref_slice %arg2[%mul3A_2] : memref<16384xi32, #tpu.memory_space<hbm>> -> memref<512xi32, #tpu.memory_space<hbm>>
      tpu.wait_dma2 semaphore(%run_scoped3A : memref<!tpu.dma_semaphore, #tpu.memory_space<semaphore_mem>>) src(%dma_wait3A_9 : memref<512xi32, #tpu.memory_space<hbm>>) dst(%arg4 : memref<512xi32, #tpu.memory_space<vmem>>)
      tpu.yield
    }) : () -> ()
    %iota3A = tpu.iota {dimensions = array<i32: 0>} : vector<16xi32>
    %broadcast_in_dim3A = arith.constant 1.000000e+00 : f32
    %broadcast_in_dim3A_3 = vector.broadcast %broadcast_in_dim3A : f32 to vector<16xf32>
    %broadcast_in_dim3A_4 = arith.constant 0.000000e+00 : f32
    %broadcast_in_dim3A_5 = vector.broadcast %broadcast_in_dim3A_4 : f32 to vector<16xf32>
    %parallel_loop3A = arith.constant 0 : i32
    %parallel_loop3A_6 = arith.constant 512 : i32
    %parallel_loop3A_7 = arith.constant 1 : i32
    scf.for %parallel_loop3A_8 = %parallel_loop3A to %parallel_loop3A_6 step %parallel_loop3A_7  : i32 {
      %parallel_loop3A_9 = vector.broadcast %parallel_loop3A_8 : i32 to vector<16xi32>
      %parallel_loop3A_10 = tpu.vector_load_idx %arg4[%parallel_loop3A_9] : memref<512xi32, #tpu.memory_space<vmem>>[vector<16xi32>], vector<16xi32>,
      %parallel_loop3A_11 = arith.cmpi eq, %iota3A, %parallel_loop3A_10 : vector<16xi32>
      %parallel_loop3A_12 = arith.select %parallel_loop3A_11, %broadcast_in_dim3A_3, %broadcast_in_dim3A_5 : vector<16xi1>, vector<16xf32>
      %parallel_loop3A_13 = arith.index_cast %parallel_loop3A_8 : i32 to index
      %parallel_loop3A_14 = arith.constant 0 : index
      %parallel_loop3A_15 = tpu.vector_load %arg5[%parallel_loop3A_13, %parallel_loop3A_14] {strides = array<i32>} : memref<512x16xf32, #tpu.memory_space<vmem>>, vector<16xf32>,
      tpu.vector_store %arg5[%parallel_loop3A_13, %parallel_loop3A_14], %parallel_loop3A_12 {strides = array<i32>} : memref<512x16xf32, #tpu.memory_space<vmem>>, vector<16xf32>,
    } {sc.loop_unroll_factor = 4 : i64, sc.parallel_access}
    "tpu.region"() ({
      %run_scoped3A = tpu.sem_alloc : memref<!tpu.dma_semaphore, #tpu.memory_space<semaphore_mem>>
      %dma_start3A = arith.constant 0 : i32
      %dma_start3A_8 = tpu.memref_slice %arg3[%mul3A_2, %dma_start3A] : memref<16384x16xf32, #tpu.memory_space<hbm>> -> memref<512x16xf32, #tpu.memory_space<hbm>>
      %dma_start3A_9 = arith.constant 0 : i32
      %dma_start3A_10 = tpu.memref_slice %arg3[%mul3A_2, %dma_start3A_9] : memref<16384x16xf32, #tpu.memory_space<hbm>> -> memref<512x16xf32, #tpu.memory_space<hbm>>
      tpu.enqueue_dma source(%arg5 : memref<512x16xf32, #tpu.memory_space<vmem>>) target(%dma_start3A_10 : memref<512x16xf32, #tpu.memory_space<hbm>>) target_semaphore(%run_scoped3A : memref<!tpu.dma_semaphore, #tpu.memory_space<semaphore_mem>>)
      %dma_wait3A = arith.constant 0 : i32
      %dma_wait3A_11 = tpu.memref_slice %arg3[%mul3A_2, %dma_wait3A] : memref<16384x16xf32, #tpu.memory_space<hbm>> -> memref<512x16xf32, #tpu.memory_space<hbm>>
      %dma_wait3A_12 = arith.constant 0 : i32
      %dma_wait3A_13 = tpu.memref_slice %arg3[%mul3A_2, %dma_wait3A_12] : memref<16384x16xf32, #tpu.memory_space<hbm>> -> memref<512x16xf32, #tpu.memory_space<hbm>>
      tpu.wait_dma2 semaphore(%run_scoped3A : memref<!tpu.dma_semaphore, #tpu.memory_space<semaphore_mem>>) src(%arg5 : memref<512x16xf32, #tpu.memory_space<vmem>>) dst(%dma_wait3A_13 : memref<512x16xf32, #tpu.memory_space<hbm>>)
      tpu.yield
    }) : () -> ()
    return
  }
}

module attributes {stable_mosaic.version = 14 : i64} {
  func.func @body(%arg0: i32, %arg1: memref<2048x16xf32, #tpu.memory_space<vmem>>, %arg2: memref<2048x1024xf32, #tpu.memory_space<vmem>>, %arg3: memref<16x1024xf32, #tpu.memory_space<vmem>>, %arg4: memref<2048x1024xf32, #tpu.memory_space<vmem>>) attributes {dimension_semantics = [#tpu.dimension_semantics<arbitrary>], iteration_bounds = array<i64: 8>, scalar_prefetch = 0 : i64, scratch_operands = 0 : i64, tpu.core_type = #tpu.core_type<tc>, window_params = [{transform_indices = @transform_0, window_bounds = array<i64: 2048, 16>}, {transform_indices = @transform_1, window_bounds = array<i64: 2048, 1024>}, {pipeline_mode = #tpu.pipeline_mode<synchronous>, transform_indices = @transform_2, window_bounds = array<i64: 16, 1024>}, {transform_indices = @transform_3, window_bounds = array<i64: 2048, 1024>}]} {
    %get3A = arith.constant 0 : index
    %get3A_0 = arith.constant 0 : index
    %get3A_1 = vector.load %arg1[%get3A, %get3A_0] : memref<2048x16xf32, #tpu.memory_space<vmem>>, vector<2048x16xf32>
    %get3A_2 = arith.constant 0 : index
    %get3A_3 = arith.constant 0 : index
    %get3A_4 = vector.load %arg3[%get3A_2, %get3A_3] : memref<16x1024xf32, #tpu.memory_space<vmem>>, vector<16x1024xf32>
    %dot_general3A = arith.constant dense<0.000000e+00> : vector<2048x1024xf32>
    %dot_general3A_5 = tpu.matmul %get3A_1, %get3A_4, %dot_general3A {dimension_numbers = #tpu.dot_dimension_numbers<[1], [0], [0], [1], [0, 0, 1, 1], [], []>, transpose_lhs_hint = false} : vector<2048x16xf32>, vector<16x1024xf32>, vector<2048x1024xf32> -> vector<2048x1024xf32>
    %get3A_6 = arith.constant 0 : index
    %get3A_7 = arith.constant 0 : index
    %get3A_8 = vector.load %arg2[%get3A_6, %get3A_7] : memref<2048x1024xf32, #tpu.memory_space<vmem>>, vector<2048x1024xf32>
    %add3A = arith.addf %get3A_8, %dot_general3A_5 : vector<2048x1024xf32>
    %swap3A = arith.constant 0 : index
    %swap3A_9 = arith.constant 0 : index
    %swap3A_10 = vector.load %arg4[%swap3A, %swap3A_9] : memref<2048x1024xf32, #tpu.memory_space<vmem>>, vector<2048x1024xf32>
    tpu.vector_store %arg4[%swap3A, %swap3A_9], %add3A {strides = array<i32>} : memref<2048x1024xf32, #tpu.memory_space<vmem>>, vector<2048x1024xf32>,
    return
  }
  func.func @transform_0(%arg0: i32) -> (i32, i32) {
    %c0_i32 = arith.constant 0 : i32
    %c0_i32_0 = arith.constant 0 : i32
    return %arg0, %c0_i32 : i32, i32
  }
  func.func @transform_1(%arg0: i32) -> (i32, i32) {
    %c0_i32 = arith.constant 0 : i32
    %c0_i32_0 = arith.constant 0 : i32
    return %arg0, %c0_i32 : i32, i32
  }
  func.func @transform_2(%arg0: i32) -> (i32, i32) {
    %c0_i32 = arith.constant 0 : i32
    %c0_i32_0 = arith.constant 0 : i32
    %c0_i32_1 = arith.constant 0 : i32
    return %c0_i32, %c0_i32_0 : i32, i32
  }
  func.func @transform_3(%arg0: i32) -> (i32, i32) {
    %c0_i32 = arith.constant 0 : i32
    %c0_i32_0 = arith.constant 0 : i32
    return %arg0, %c0_i32 : i32, i32
  }
}

</mosaic_0001>

<sc_bundles>
// kernel: kernel.4.cloned.1.call-start
scs
__scs_entry_jumppad:
0x0: {  	(pc) =	sbr.rel $0x88, $3  }
0x1: {  	(tag) =	ssettag $0x0;
	lr =	simm.s32 $0x1  }
0x2: {  	[smem:$0x3F9E] =	sst lr;
	_ =	strace $0xD0000000  }
0x3: {  	_ = 	snop  }
0x4: {  	_ = 	snop  }
0x5: {  	_ = 	snop  }
0x6: {  	_ = 	snop  }
0x7: {  	_ = 	snop  }
__scs_overlays_trampoline_lowered:
0x8: {  	[smem:$0x3FAD] =	sst s0  }
0x9: {  	[smem:$0x3FAE] =	sst s1  }
0xa: {  	[smem:$0x3FAF] =	sst s2  }
0xb: {  	[smem:$0x3FB0] =	sst s3  }
0xc: {  	[smem:$0x3FB1] =	sst s4  }
0xd: {  	[smem:$0x3FB2] =	sst s5  }
0xe: {  	[smem:$0x3FB3] =	sst s6  }
0xf: {  	[smem:$0x3FB4] =	sst s7  }
0x10: {  	[smem:$0x3FB5] =	sst s8  }
0x11: {  	[smem:$0x3FB6] =	sst s9;
	s0 =	simm.s32 @!p0 $0x0  }
0x12: {  	s1 =	sld [smem:$0x3F9C];
	s0 =	simm.s32 @p0 $0x1  }
0x13: {  	[smem:$0x3FB7] =	sst s0;
	s0 =	simm.s32 @!p1 $0x0  }
0x14: {  	s2 =	sld [smem:$0x3F9B];
	s0 =	simm.s32 @p1 $0x1  }
0x15: {  	[smem:$0x3FB8] =	sst s0;
	s0 =	simm.s32 @!p2 $0x0  }
0x16: {  	s3 =	sld [smem:$0x3FDB];
	s0 =	simm.s32 @p2 $0x1  }
0x17: {  	s4 =	simm.s32 $0x1BF5;
	[smem:$0x3FBA] =	sst s0  }
0x18: {  	s0 =	sld [smem:$0x3F9D];
	_ =	swait.ge [sflag:s4], $0x0  }
0x19: {  	s7 =	sld [smem:$0x3F9E]  }
0x1a: {  	s8 =	sadd.s32 $0xFFFFE003, lr  }
0x1b: {  	s9 =	sadd.s32 $0xFFFFFEF7, lr;
	s5 =	simm.s32 $0xFFFFFFFF;
	p2 =	slt.u32 s8, $0xFFFFF086  }
0x1c: {  	p1 =	slt.u32 s9, $0xF7A;
	s5 =	simm.s32 @!p2 $0x0  }
0x1d: {  	s5 =	simm.s32 @p1 $0x1;
	p0 =	seq.s32 s7, s2  }
0x1e: {  	s7 =	smul.u32 @!p0 $0xF7A, s2;
	p2 =	seq.s32 @!p0 s5, $0x0  }
0x1f: {  	s9 =	smul.u32 $0xF7A, s1;
	s8 =	simm.s32 @!p0 $0x1BF5;
	p2 =	por !p2, p0  }
0x20: {  	[sflag:s8] =	ssyncset.s32 @!p0 $0xFFFFF086;
	s6 =	sadd.s32 @!p0 s3, s7;
	s7 =	simm.s32 @!p0 $0x108  }
0x21: {  	s3 =	sadd.s32 s3, s9;
	s6 =	sadd.s32 @!p0 $0x88, s6;
	s7 =	simm.s32 @p2 $0x1082  }
0x22: {  	[simem:s7], [sflag:s8] =	dma.local @!p0 [hbm:s6], $0xF7A  }
0x23: {  	s9 =	sor.u32 $0xD0000000, s2;
	s6 =	simm.s32 $0x108;
	_ =	swait.ge @!p0 [sflag:s8], $0x0  }
0x24: {  	s3 =	sadd.s32 $0x88, s3;
	s6 =	simm.s32 @!p1 $0x1082;
	[sflag:s4] =	ssyncset.s32 $0xFFFFF086  }
0x25: {  	[simem:s6], [sflag:s4] =	dma.local [hbm:s3], $0xF7A  }
0x26: {  	[smem:$0x3F9E] =	sst s1;
	(tag) =	ssettag s2;
	_ =	strace s9  }
0x27: {  	s1 =	sld [smem:$0x3FAE]  }
0x28: {  	s2 =	sld [smem:$0x3FAF]  }
0x29: {  	s4 =	sld [smem:$0x3FB1]  }
0x2a: {  	p0 =	seq.s32 s5, $0x0;
	s5 =	sld [smem:$0x3FB2]  }
0x2b: {  	s6 =	sld [smem:$0x3FB3]  }
0x2c: {  	s7 =	sld [smem:$0x3FB4]  }
0x2d: {  	s3 =	simm.s32 $0x108;
	s8 =	sld [smem:$0x3FB5]  }
0x2e: {  	s3 =	simm.s32 @!p0 $0x1082;
	s9 =	sld [smem:$0x3FB6]  }
0x2f: {  	lr =	sadd.s32 s0, s3;
	s0 =	sld [smem:$0x3FAD]  }
0x30: {  	s3 =	sld [smem:$0x3FB0]  }
0x31: {  	[smem:$0x3FB9] =	sst s10  }
0x32: {  	s10 =	sld [smem:$0x3FB7];
	_ =	sdelay $0x3  }
0x33: {  	p0 =	seq.s32 s10, $0x1;
	s10 =	sld [smem:$0x3FB9];
	_ =	sdelay $0x3  }
0x34: {  	[smem:$0x3FB9] =	sst s10  }
0x35: {  	s10 =	sld [smem:$0x3FB8];
	_ =	sdelay $0x3  }
0x36: {  	p1 =	seq.s32 s10, $0x1;
	s10 =	sld [smem:$0x3FB9];
	_ =	sdelay $0x3  }
0x37: {  	[smem:$0x3FB9] =	sst s10  }
0x38: {  	s10 =	sld [smem:$0x3FBA]  }
0x39: {  	_ = 	snop;
	(pc) =	sbr.ind lr, $3  }
0x3a: {  	_ = 	snop  }
0x3b: {  	_ = 	snop  }
0x3c: {  	p2 =	seq.s32 s10, $0x1;
	s10 =	sld [smem:$0x3FB9]  }
0x3d: {  	_ =	shalt  }
0x3e: {  	_ =	shalt  }
0x3f: {  	_ =	shalt  }
0x40: {  	_ =	shalt  }
0x41: {  	_ =	shalt  }
0x42: {  	_ =	shalt  }
0x43: {  	_ =	shalt  }
0x44: {  	_ =	shalt  }
0x45: {  	_ =	shalt  }
0x46: {  	_ =	shalt  }
0x47: {  	_ =	shalt  }
0x48: {  	_ =	shalt  }
0x49: {  	_ =	shalt  }
0x4a: {  	_ =	shalt  }
0x4b: {  	_ =	shalt  }
0x4c: {  	_ =	shalt  }
0x4d: {  	_ =	shalt  }
0x4e: {  	_ =	shalt  }
0x4f: {  	_ =	shalt  }
0x50: {  	_ =	shalt  }
0x51: {  	_ =	shalt  }
0x52: {  	_ =	shalt  }
0x53: {  	_ =	shalt  }
0x54: {  	_ =	shalt  }
0x55: {  	_ =	shalt  }
0x56: {  	_ =	shalt  }
0x57: {  	_ =	shalt  }
0x58: {  	_ =	shalt  }
0x59: {  	_ =	shalt  }
0x5a: {  	_ =	shalt  }
0x5b: {  	_ =	shalt  }
0x5c: {  	_ =	shalt  }
0x5d: {  	_ =	shalt  }
0x5e: {  	_ =	shalt  }
0x5f: {  	_ =	shalt  }
0x60: {  	_ =	shalt  }
0x61: {  	_ =	shalt  }
0x62: {  	_ =	shalt  }
0x63: {  	_ =	shalt  }
0x64: {  	_ =	shalt  }
0x65: {  	_ =	shalt  }
0x66: {  	_ =	shalt  }
0x67: {  	_ =	shalt  }
0x68: {  	_ =	shalt  }
0x69: {  	_ =	shalt  }
0x6a: {  	_ =	shalt  }
0x6b: {  	_ =	shalt  }
0x6c: {  	_ =	shalt  }
0x6d: {  	_ =	shalt  }
0x6e: {  	_ =	shalt  }
0x6f: {  	_ =	shalt  }
0x70: {  	_ =	shalt  }
0x71: {  	_ =	shalt  }
0x72: {  	_ =	shalt  }
0x73: {  	_ =	shalt  }
0x74: {  	_ =	shalt  }
0x75: {  	_ =	shalt  }
0x76: {  	_ =	shalt  }
0x77: {  	_ =	shalt  }
0x78: {  	_ =	shalt  }
0x79: {  	_ =	shalt  }
0x7a: {  	_ =	shalt  }
0x7b: {  	_ =	shalt  }
0x7c: {  	_ =	shalt  }
0x7d: {  	_ =	shalt  }
0x7e: {  	_ =	shalt  }
0x7f: {  	_ =	shalt  }
0x80: {  	_ =	shalt  }
0x81: {  	_ =	shalt  }
0x82: {  	_ =	shalt  }
0x83: {  	_ =	shalt  }
0x84: {  	_ =	shalt  }
0x85: {  	_ =	shalt  }
0x86: {  	_ =	shalt  }
0x87: {  	_ =	shalt  }
.Lfunc_end0:
.L_simem_size_0:
called_computation_lowered:
.L_overlay_start_0:
0x88: {  	s2 =	sld [smem:$0x3FD9]  }
0x89: {  	s3 =	sld [smem:$0x3FFE];
	_ =	sdelay $0x1  }
0x8a: {  	s1 =	srdreg.scid  }
0x8b: {  	s0 =	sand.u32 $0x1, s1  }
0x8c: {  	s17 =	sshll.u32 s0, $0xA;
	s2 =	sadd.s32 s3, s2  }
0x8d: {  	s2 =	sadd.s32 s2, s17  }
0x8e: {  	[smem:$0x3FC5] =	sst s2  }
0x8f: {  	_ = 	snop  }
0x90: {  	s2 =	sld [smem:$0x3FD0];
	(tm) =	ssettm $0x1  }
0x91: {  	s18 =	sld [smem:$0x3FFB];
	_ =	sdelay $0x3  }
0x92: {  	_ =	strace s18  }
0x93: {  	s3 =	sld [smem:$0x3FFC];
	_ =	sdelay $0x3  }
0x94: {  	_ =	strace s3  }
0x95: {  	s3 =	sld [smem:$0x3FFD];
	_ =	sdelay $0x3  }
0x96: {  	_ =	strace s3  }
0x97: {  	_ =	strace $0x8FFFFFFF  }
0x98: {  	s19 =	sld [smem:$0x3FDB];
	_ =	sdelay $0x1  }
0x99: {  	s4 =	simm.s32 $_scs_section_size  }
0x9a: {  	s5 =	simm.s32 $_size__tile_overlayer_lowered;
	s6 =	simm.s32 $_tile_overlayer_lowered  }
0x9b: {  	s22 =	simm.s32 $0x1BFF;
	s21 =	sshll.u32 s6, $0x1;
	s3 =	sadd.s32 s4, s19  }
0x9c: {  	s7 =	simm.s32 $0x0;
	s20 =	sshll.u32 s5, $0x1;
	s5 =	sadd.s32 s21, s3  }
0x9d: {  	[timem:s7], [sflag:s22] =	dma.local [hbm:s5], s20  }
0x9e: {  	_ =	swait.ge [sflag:s22], s20  }
0x9f: {  	s4 =	ssub.s32 $0x0, s20;
	[sflag:s22] =	ssyncset.done $0x0  }
0xa0: {  	[sflag:s22] =	ssyncadd.s32 s4;
	_ =	sdelay $0x1  }
0xa1: {  	s23 =	simm.s32 $0x1B8B  }
0xa2: {  	_ =	swait.ge [sflag:s23], $0x1  }
0xa3: {  	[sflag:s23] =	ssyncset.done $0x0  }
0xa4: {  	s25 =	simm.s32 $0x1B8E;
	s24 =	sld [smem:$0x3FFE];
	[sflag:s23] =	ssyncadd.s32 $0xFFFFFFFF  }
0xa5: {  	s26 =	simm.s32 $execute0_lowered;
	[smem:$0x3FD2] =	sst s25  }
0xa6: {  	s5 =	sshll.u32 s26, $0x1;
	_ =	strace $0x80000046;
	[dreg:$0x1] =	wrdreg $0xFFFFFFFF  }
0xa7: {  	s28 =	simm.s32 $_size_execute0_lowered;
	s3 =	sadd.s32 s3, s5;
	[dreg:$0x0] =	wrdreg $0x0  }
0xa8: {  	s5 =	sshll.u32 s28, $0x1;
	[dreg:$0x2] =	wrdreg s3  }
0xa9: {  	[dreg:$0x3] =	wrdreg s5  }
0xaa: {  	[dreg:$0x4] =	wrdreg $0xC0  }
0xab: {  	_ =	task [dreg:s7], $0x5FFFF  }
0xac: {  	[dreg:$0x1] =	wrdreg $0xFFFFFFFF  }
0xad: {  	[dreg:$0x0] =	wrdreg $0x60  }
0xae: {  	[dreg:$0x2] =	wrdreg s24  }
0xaf: {  	[dreg:$0x3] =	wrdreg s2  }
0xb0: {  	[dreg:$0x4] =	wrdreg $0x9  }
0xb1: {  	_ =	task.clear_ibuf [dreg:s7], $0x5FFFF;
	_ =	strace $0x90000046  }
0xb2: {  	s29 =	simm.s32 $0x9;
	_ =	strace $0x80000048  }
0xb3: {  	_ =	swait.ge [sflag:s29], $0x1  }
0xb4: {  	[sflag:s29] =	ssyncadd.s32 $0xFFFFFFFF  }
0xb5: {  	_ =	strace $0x90000048  }
0xb6: {  	_ =	sfence  }
0xb7: {  	s30 =	sld [smem:$0x0];
	_ =	sdelay $0x2  }
0xb8: {  	s31 =	sshll.u32 s1, $0xD;
	s1 =	sshrl.u32 s1, $0x2  }
0xb9: {  	s3 =	sand.u32 $0x4000, s31;
	s1 =	sadd.s32 s1, s30  }
0xba: {  	s0 =	sor.u32 s3, s0;
	s1 =	sshll.u32 s1, $0x11  }
0xbb: {  	s0 =	sor.u32 s1, s0  }
0xbc: {  	s0 =	sadd.s32 $0x8F2B, s0  }
0xbd: {  	[sflag:s0] =	ssyncadd.remote.s32 $0x1  }
0xbe: {  	_ =	sfence.sel $0xFFFF  }
0xbf: {  	[dreg:$0x0] =	wrdreg $0xFFFFFFFF;
	(pc) =	sbr.abs _section_cstart, $3  }
0xc0: {  	[dreg:$0x1] =	wrdreg $0xFFFFFFFF  }
0xc1: {  	_ =	task.clear_ibuf [dreg:s7], $0x2FFFF;
	_ =	strace $0x9FFFFFFF  }
0xc2: {  	(tm) =	ssettm $0x7FFFFFFF  }
0xc3: {  	_ =	shalt  }
tec
execute0_lowered:
.L_overlay_start_1:
0x0: {  	(tag) =	ssettag $0x1  }
0x1: {  	s3 =	rddreg [dreg:$0x0]  }
0x2: {  	s4 =	rddreg [dreg:$0x1];
	s2 =	srdreg.scid  }
0x3: {  	s0 =	rddreg [dreg:$0x2];
	s1 =	stileid.u32;
	s5 =	sand.u32 $0x1, s2  }
0x4: {  	s2 =	simm.s32 $0x0;
	s6 =	sshll.u32 s1, $0xA;
	s7 =	sshll.u32 s5, $0x9  }
0x5: {  	[smem:$0x7FF] =	sst s2;
	s5 =	ssub.s32 $0x2, s5;
	s6 =	sor.u32 s7, s6  }
0x6: {  	_ =	strace $0x80000047;
	s8 =	sshrl.u32 s5, $0x1;
	s7 =	sshrl.u32 s6, $0x3  }
0x7: {  	s5 =	ssub.s32 s5, s8;
	s6 =	sshll.u32 s6, $0x1;
	s8 =	simm.s32 $0x0  }
0x8: {  	s3 =	sadd.s32 s7, s3;
	s4 =	sadd.s32 s4, s6;
	s5 =	smax.u32 s5, $0x1  }
0x9: {  	v0 =	vlaneseq.u32;
	v1 =	vimm.f32 $0.0e+00;
	s6 =	simm.s32 $0x1;
	s7 =	simm.s32 $0x200;
	s3 =	sadd.s32 $0x400, s3  }
.LBB2_1:
0xa: {  	s9 =	simm.s32 $0x2  }
0xb: {  	s10 =	simm.s32 $0x1;
	v2 =	vmov s9  }
0xc: {  	v3 =	vmov s10;
	v2 =	vand.u32 $0xFFFFFFFE, v2  }
0xd: {  	v4 =	vmov s2;
	v3 =	vand.u32 $0xFFFFFFFD, v3;
	v2 =	vbroadcast v2, $0x0  }
0xe: {  	[tilespmem:s2], [sflag:$0x1] =	stream.linear.gather [hbm4b:s3+s2], $0x200, $0x38;
	v4 =	vand.u32 $0xFFFFFFFC, v4;
	v3 =	vbroadcast v3, $0x0;
	[tilespmem:$0x2200] =	vst v63  }
0xf: {  	s11 =	simm.s32 $0x5;
	v4 =	vbroadcast v4, $0x0  }
0x10: {  	s24 =	simm.s32 $0x6;
	s25 =	simm.s32 $0x4;
	_ =	swait.ge [sflag:s6], $0x200;
	v7 =	vmov s11  }
0x11: {  	s26 =	simm.s32 $0x3;
	v5 =	vmov s24;
	v6 =	vmov s25;
	[sflag:s6] =	ssyncset.done $0x0;
	v7 =	vand.u32 $0xFFFFFFFD, v7  }
0x12: {  	v8 =	vmov s26;
	v5 =	vand.u32 $0xFFFFFFFE, v5;
	[sflag:s6] =	ssyncadd.s32 $0xFFFFFE00;
	v7 =	vbroadcast v7, $0x0  }
0x13: {  	v10 =	vbroadcast v5, $0x0;
	v5 =	vand.u32 $0xFFFFFFFC, v6;
	v6 =	vld.idx.msk [tilespmem:v2+s2+$0x0], $0xffff  }
0x14: {  	v12 =	vbroadcast v5, $0x0;
	v11 =	vld.idx.msk [tilespmem:v3+s2+$0x0], $0xffff  }
0x15: {  	s28 =	simm.s32 $0x8;
	s29 =	simm.s32 $0x7;
	s30 =	simm.s32 $0xA;
	v13 =	vld.idx.msk [tilespmem:v4+s2+$0x0], $0xffff  }
0x16: {  	s31 =	simm.s32 $0x9;
	v9 =	vmov s29;
	v4 =	vmov s30;
	v3 =	vmov s28  }
0x17: {  	v2 =	vld.idx.msk [tilespmem:v8+s2+$0x0], $0xffff;
	v4 =	vand.u32 $0xFFFFFFFE, v4;
	v8 =	vand.u32 $0xFFFFFFFC, v3;
	v3 =	vmov s31  }
0x18: {  	v5 =	vbroadcast v4, $0x0;
	v4 =	vld.idx.msk [tilespmem:v7+s2+$0x0], $0xffff;
	v14 =	vand.u32 $0xFFFFFFFD, v3;
	vm0 =	veq.s32 v6, v0  }
0x19: {  	s9 =	simm.s32 $0x220;
	v3 =	vld.idx.msk [tilespmem:v10+s2+$0x0], $0xffff;
	v7 =	vbroadcast v8, $0x0;
	vm1 =	veq.s32 v11, v0;
	v11 =	vsel vm0, $0x3F800000, v1  }
0x1a: {  	s10 =	simm.s32 $0xC;
	s11 =	simm.s32 $0xB;
	v8 =	vld.idx.msk [tilespmem:v12+s2+$0x0], $0xffff;
	v6 =	vbroadcast v14, $0x0;
	vm0 =	veq.s32 v13, v0;
	v10 =	vsel vm1, $0x3F800000, v1;
	[tilespmem:s9+$0x0] =	vst v11  }
.LBB2_2:
0x1b: {  	s12 =	sadd.s32 $0x2, s10  }
0x1c: {  	v11 =	vmov s10;
	p0 =	slt.u32 s10, $0x1FC;
	v12 =	vsel vm0, $0x3F800000, v1;
	[tilespmem:s9+$0xFFFFFFF0] =	vst v10;
	vm0 =	veq.s32 v2, v0;
	v2 =	vld.idx.msk [tilespmem:v9+s2+$0x0], $0xffff;
	s13 =	smov.u32 s10;
	s10 =	sadd.s32 $0x4, s10  }
.Ltmp0:
0x1d: {  	v9 =	vmov s11;
	s14 =	sadd.s32 $0x1, s13;
	v10 =	vmov s12;
	[tilespmem:s9+$0xFFFFFFE0] =	vst v12;
	v12 =	vsel vm0, $0x3F800000, v1;
	(pc) =	sbr.rel @p0 .LBB2_2-.Ltmp0, $4  }
0x1e: {  	v11 =	vand.u32 $0xFFFFFFFC, v11;
	v13 =	vmov s14;
	v10 =	vand.u32 $0xFFFFFFFE, v10;
	[tilespmem:s9+$0x10] =	vst v12  }
0x1f: {  	vm0 =	veq.s32 v3, v0;
	v12 =	vand.u32 $0xFFFFFFFD, v13;
	v3 =	vld.idx.msk [tilespmem:v5+s2+$0x0], $0xffff;
	v5 =	vbroadcast v10, $0x0  }
0x20: {  	s9 =	sadd.s32 $0x40, s9;
	vm1 =	veq.s32 v4, v0;
	v4 =	vld.idx.msk [tilespmem:v6+s2+$0x0], $0xffff;
	v6 =	vbroadcast v12, $0x0;
	v12 =	vsel vm0, $0x3F800000, v1  }
0x21: {  	s11 =	sadd.s32 $0x3, s13;
	vm0 =	veq.s32 v8, v0;
	v10 =	vsel vm1, $0x3F800000, v1;
	v8 =	vld.idx.msk [tilespmem:v7+s2+$0x0], $0xffff;
	v7 =	vbroadcast v11, $0x0;
	[tilespmem:s9+$0x0] =	vst v12  }
0x22: {  	_ =	sdelay $0x2  }
0x23: {  	v11 =	vmov s11  }
0x24: {  	v9 =	vld.idx.msk [tilespmem:v9+s2+$0x0], $0xffff  }
0x25: {  	[tilespmem:s9+$0xFFFFFFF0] =	vst v10;
	v56 =	vsel vm0, $0x3F800000, v1;
	vm8 =	veq.s32 v2, v0;
	v2 =	vld.idx.msk [tilespmem:v5+s2+$0x0], $0xffff  }
0x26: {  	[tilespmem:s9+$0xFFFFFFE0] =	vst v56;
	v57 =	vsel vm8, $0x3F800000, v1;
	v59 =	vld.idx.msk [tilespmem:v7+s2+$0x0], $0xffff;
	vm9 =	veq.s32 v3, v0  }
0x27: {  	s31 =	sadd.s32 $0x40, s9;
	v3 =	vld.idx.msk [tilespmem:v6+s2+$0x0], $0xffff;
	[tilespmem:s9+$0x10] =	vst v57;
	vm1 =	veq.s32 v4, v0;
	v58 =	vsel vm9, $0x3F800000, v1  }
0x28: {  	vm10 =	veq.s32 v8, v0;
	v60 =	vsel vm1, $0x3F800000, v1;
	[tilespmem:s31+$0x0] =	vst v58;
	v61 =	vld.idx.msk [tilespmem:v11+s2+$0x0], $0xffff  }
0x29: {  	v62 =	vsel vm10, $0x3F800000, v1;
	[tilespmem:s31+$0xFFFFFFF0] =	vst v60;
	vm11 =	veq.s32 v9, v0  }
0x2a: {  	vm12 =	veq.s32 v2, v0;
	[tilespmem:s31+$0xFFFFFFE0] =	vst v62;
	v63 =	vsel vm11, $0x3F800000, v1  }
0x2b: {  	s9 =	sadd.s32 $0x40, s31;
	v2 =	vsel vm12, $0x3F800000, v1;
	vm14 =	veq.s32 v59, v0;
	[tilespmem:s31+$0x10] =	vst v63  }
0x2c: {  	vm13 =	veq.s32 v3, v0;
	[tilespmem:s9+$0x0] =	vst v2;
	v2 =	vsel vm14, $0x3F800000, v1  }
0x2d: {  	s8 =	sadd.s32 $0x1, s8;
	v3 =	vsel vm13, $0x3F800000, v1;
	[tilespmem:s9+$0xFFFFFFE0] =	vst v2;
	vm15 =	veq.s32 v61, v0  }
0x2e: {  	p0 =	sne.s32 s8, s5;
	[tilespmem:s9+$0xFFFFFFF0] =	vst v3;
	v2 =	vsel vm15, $0x3F800000, v1  }
.Ltmp1:
0x2f: {  	[tilespmem:s9+$0x10] =	vst v2;
	(pc) =	sbr.rel @p0 .LBB2_1-.Ltmp1, $4  }
0x30: {  	[hbm4b:s4+s2] =	stream.linear.scatter [tilespmem:s7], [sflag:$0x1], $0x2000, $0x38;
	[tilespmem:$0x2200] =	vst v63  }
0x31: {  	_ =	swait.ge [sflag:s6], $0x2000  }
0x32: {  	[sflag:s6] =	ssyncset.done $0x0  }
0x33: {  	[sflag:s6] =	ssyncadd.s32 $0xFFFFE000  }
0x34: {  	_ =	sfence.sel $0x180000  }
0x35: {  	[bflag:$0x0] =	sbarrier.arrive $0xFFFF  }
0x36: {  	p0 =	sne.s32 s1, $0x0;
	_ =	strace $0x90000047  }
0x37: {  	s0 =	sadd.s32 @!p0 $0x100000, s0;
	[bflag:$0x2] =	sbarrier.arrive $0xFFFF  }
0x38: {  	[sflag:s0] =	ssyncadd.tile.s32 @!p0 $0x1;
	_ =	shalt  }
.Lfunc_end2:
_tile_overlayer_lowered:
.L_overlay_start_2:
0x39: {  	(tag) =	ssettag $0x2  }
0x3a: {  	s0 =	rddreg [dreg:$0x0];
	s2 =	stileid.u32  }
0x3b: {  	s1 =	rddreg [dreg:$0x1];
	p0 =	sne.s32 s2, $0x0  }
0x3c: {  	s3 =	rddreg [dreg:$0x2];
	[bflag:$0x3] =	sbarrier.arrive $0xFFFF;
	s2 =	simm.s32 @!p0 $0x1C01  }
0x3d: {  	[timem:s3], [sflag:s2] =	dma.local @!p0 [hbm:s0], s1  }
0x3e: {  	s0 =	simm.s32 @!p0 $0x1  }
0x3f: {  	_ =	swait.ge @!p0 [sflag:s0], s1  }
0x40: {  	s1 =	ssub.s32 @!p0 $0x0, s1;
	[sflag:s0] =	ssyncset.done @!p0 $0x0  }
0x41: {  	[sflag:s0] =	ssyncadd.s32 @!p0 s1  }
0x42: {  	[bflag:$0x3] =	sbarrier.arrive $0xFFFF  }
0x43: {  	_ =	shalt  }

</sc_bundles>
